<compile_context>
chip_gen: v7x
topology: tpu7x:2x2x1
jax: 0.10.2.dev20260603
libtpu: 0.0.44.dev20260713+nightly
codegen_flags: <defaults>
</compile_context>

<pallas_src>
import functools

import jax
import jax.numpy as jnp
from jax import lax
from jax.experimental import pallas as pl
from jax.experimental.pallas import tpu as pltpu
from jax.experimental.pallas import tpu_sc as plsc

EMBED = 128
NC = 2
NS = 16
NW = NC * NS
CH = 256
RB = 2


def kernel(x, table):
    B, L = x.shape
    n = B * L
    per_w = n // NW
    nch = per_w // CH
    idx = x.reshape(NW, nch, CH).astype(jnp.int32)

    mesh = plsc.VectorSubcoreMesh(core_axis_name="c", subcore_axis_name="s")

    scratch = (
        [pltpu.VMEM((CH,), jnp.int32) for _ in range(RB)]
        + [pltpu.VMEM((CH, EMBED), jnp.float32) for _ in range(RB)]
        + [pltpu.SemaphoreType.DMA for _ in range(3 * RB)]
    )

    @functools.partial(
        pl.kernel,
        out_type=jax.ShapeDtypeStruct((n, EMBED), table.dtype),
        mesh=mesh,
        scratch_types=scratch,
    )
    def gather_kernel(table_hbm, idx_hbm, out_hbm, *refs):
        idxc = refs[0:RB]
        bufs = refs[RB:2 * RB]
        isem = refs[2 * RB:3 * RB]
        gsem = refs[3 * RB:4 * RB]
        wsem = refs[4 * RB:5 * RB]

        wid = lax.axis_index("s") * NC + lax.axis_index("c")
        base = wid * per_w

        def idx_start(i, b):
            pltpu.async_copy(idx_hbm.at[wid, i], idxc[b], isem[b])

        def idx_wait(i, b):
            pltpu.make_async_copy(idx_hbm.at[wid, i], idxc[b], isem[b]).wait()

        def gather_start(b):
            pltpu.async_copy(table_hbm.at[idxc[b]], bufs[b], gsem[b])

        def gather_wait(b):
            pltpu.make_async_copy(table_hbm.at[idxc[b]], bufs[b], gsem[b]).wait()

        def write_start(i, b):
            pltpu.async_copy(bufs[b], out_hbm.at[pl.ds(base + i * CH, CH)],
                             wsem[b])

        def write_wait(i, b):
            pltpu.make_async_copy(
                bufs[b], out_hbm.at[pl.ds(base + i * CH, CH)], wsem[b]
            ).wait()

        for j in range(RB - 1):
            pltpu.sync_copy(idx_hbm.at[wid, j], idxc[j])
            gather_start(j)
        idx_start(RB - 1, RB - 1)

        @pl.loop(0, nch // RB)
        def _(it):
            i0 = it * RB
            for r in range(RB):
                i = i0 + r
                b = r
                bp = (r - 1) % RB
                gather_wait(b)

                @pl.when(i + RB < nch)
                def _():
                    idx_start(i + RB, b)

                write_start(i, b)

                @pl.when(i > 0)
                def _():
                    write_wait(i - 1, bp)

                @pl.when(i + RB - 1 < nch)
                def _():
                    idx_wait(i + RB - 1, bp)
                    gather_start(bp)

        write_wait(nch - 1, (nch - 1) % RB)

    out = gather_kernel(table, idx)
    return out.reshape(B, L, EMBED)

# --- scband reference (transcript-rebuilt; emitter-appended) ---
"""Pipeline reference for scband-word-embed-layer-2611340116449 (READ-ONLY COPY).

The authoritative reference and input builder live on the scoring server;
editing this copy changes nothing except your own understanding.
"""

import jax, jax.numpy as jnp
import numpy as np

VOCAB = 100000
EMBED = 128
B = 4096
L = 200

def setup_inputs(seed: int = 0) -> dict:
    key = jax.random.key(seed)
    k_idx, k_w = jax.random.split(key)
    x = jax.random.randint(k_idx, (B, L), 0, VOCAB, dtype=jnp.int64 if jax.config.jax_enable_x64 else jnp.int32)
    table = jax.random.normal(k_w, (VOCAB, EMBED), dtype=jnp.float32)
    return {"x": x, "table": table}

def reference(x, table):
    # nn.Embedding lookup: gather rows of table by index
    out = jnp.take(table, x, axis=0)
    return out

if __name__ == "__main__":
    import jax
    _d = setup_inputs()
    print(jax.jit(kernel)(*tuple(_d.values())))

</pallas_src>

<mosaic_0001>
#map = affine_map<(d0, d1) -> (0, 0)>
#map1 = affine_map<(d0, d1) -> (0, 0, 0)>
module attributes {stable_mosaic.version = 14 : i64} {
  func.func @gather_kernel(%arg0: i32, %arg1: i32, %arg2: memref<100000x128xf32, #tpu.memory_space<hbm>>, %arg3: memref<32x100x256xi32, #tpu.memory_space<hbm>>, %arg4: memref<819200x128xf32, #tpu.memory_space<hbm>>, %arg5: memref<256xi32, #tpu.memory_space<vmem>>, %arg6: memref<256xi32, #tpu.memory_space<vmem>>, %arg7: memref<256x128xf32, #tpu.memory_space<vmem>>, %arg8: memref<256x128xf32, #tpu.memory_space<vmem>>, %arg9: memref<!tpu.dma_semaphore, #tpu.memory_space<semaphore_mem>>, %arg10: memref<!tpu.dma_semaphore, #tpu.memory_space<semaphore_mem>>, %arg11: memref<!tpu.dma_semaphore, #tpu.memory_space<semaphore_mem>>, %arg12: memref<!tpu.dma_semaphore, #tpu.memory_space<semaphore_mem>>, %arg13: memref<!tpu.dma_semaphore, #tpu.memory_space<semaphore_mem>>, %arg14: memref<!tpu.dma_semaphore, #tpu.memory_space<semaphore_mem>>) attributes {dimension_semantics = [#tpu.dimension_semantics<core_parallel>, #tpu.dimension_semantics<subcore_parallel>], iteration_bounds = array<i64: 2, 16>, scalar_prefetch = 0 : i64, scratch_operands = 10 : i64, tpu.core_type = #tpu.core_type<sc_vector_subcore>, window_params = [{transform_indices = #map}, {transform_indices = #map1}, {transform_indices = #map}]} {
    %mul3A = arith.constant 2 : i32
    %mul3A_0 = arith.muli %arg1, %mul3A : i32
    %add3A = arith.addi %mul3A_0, %arg0 : i32
    %mul3A_1 = arith.constant 25600 : i32
    %mul3A_2 = arith.muli %add3A, %mul3A_1 : i32
    %run_scoped3A = arith.constant 0 : i32
    "tpu.region"() ({
      %run_scoped3A_21 = tpu.sem_alloc : memref<!tpu.dma_semaphore, #tpu.memory_space<semaphore_mem>>
      %dma_start3A_22 = arith.constant 0 : i32
      %dma_start3A_23 = tpu.memref_slice %arg3[%add3A, %run_scoped3A, %dma_start3A_22] : memref<32x100x256xi32, #tpu.memory_space<hbm>> -> memref<1x1x256xi32, #tpu.memory_space<hbm>>
      %dma_start3A_24 = tpu.memref_squeeze %dma_start3A_23 : memref<1x1x256xi32, #tpu.memory_space<hbm>> -> memref<256xi32, #tpu.memory_space<hbm>>
      %dma_start3A_25 = arith.constant 0 : i32
      %dma_start3A_26 = tpu.memref_slice %arg3[%add3A, %run_scoped3A, %dma_start3A_25] : memref<32x100x256xi32, #tpu.memory_space<hbm>> -> memref<1x1x256xi32, #tpu.memory_space<hbm>>
      %dma_start3A_27 = tpu.memref_squeeze %dma_start3A_26 : memref<1x1x256xi32, #tpu.memory_space<hbm>> -> memref<256xi32, #tpu.memory_space<hbm>>
      tpu.enqueue_dma source(%dma_start3A_27 : memref<256xi32, #tpu.memory_space<hbm>>) target(%arg5 : memref<256xi32, #tpu.memory_space<vmem>>) target_semaphore(%run_scoped3A_21 : memref<!tpu.dma_semaphore, #tpu.memory_space<semaphore_mem>>)
      %dma_wait3A_28 = arith.constant 0 : i32
      %dma_wait3A_29 = tpu.memref_slice %arg3[%add3A, %run_scoped3A, %dma_wait3A_28] : memref<32x100x256xi32, #tpu.memory_space<hbm>> -> memref<1x1x256xi32, #tpu.memory_space<hbm>>
      %dma_wait3A_30 = tpu.memref_squeeze %dma_wait3A_29 : memref<1x1x256xi32, #tpu.memory_space<hbm>> -> memref<256xi32, #tpu.memory_space<hbm>>
      %dma_wait3A_31 = arith.constant 0 : i32
      %dma_wait3A_32 = tpu.memref_slice %arg3[%add3A, %run_scoped3A, %dma_wait3A_31] : memref<32x100x256xi32, #tpu.memory_space<hbm>> -> memref<1x1x256xi32, #tpu.memory_space<hbm>>
      %dma_wait3A_33 = tpu.memref_squeeze %dma_wait3A_32 : memref<1x1x256xi32, #tpu.memory_space<hbm>> -> memref<256xi32, #tpu.memory_space<hbm>>
      tpu.wait_dma2 semaphore(%run_scoped3A_21 : memref<!tpu.dma_semaphore, #tpu.memory_space<semaphore_mem>>) src(%dma_wait3A_33 : memref<256xi32, #tpu.memory_space<hbm>>) dst(%arg5 : memref<256xi32, #tpu.memory_space<vmem>>)
      tpu.yield
    }) : () -> ()
    %dma_start3A = arith.constant 0 : i32
    %dma_start3A_3 = arith.constant 0 : i32
    %dma_start3A_4 = tpu.memref_slice %arg2[%dma_start3A, %dma_start3A_3] : memref<100000x128xf32, #tpu.memory_space<hbm>> -> memref<100000x128xf32, #tpu.memory_space<hbm>>
    tpu.enqueue_indirect_dma source(%dma_start3A_4 : memref<100000x128xf32, #tpu.memory_space<hbm>>) target(%arg7 : memref<256x128xf32, #tpu.memory_space<vmem>>) offsets(%arg5 : memref<256xi32, #tpu.memory_space<vmem>>) semaphore(%arg11 : memref<!tpu.dma_semaphore, #tpu.memory_space<semaphore_mem>>)
    %dma_start3A_5 = arith.constant 1 : i32
    %dma_start3A_6 = arith.constant 0 : i32
    %dma_start3A_7 = tpu.memref_slice %arg3[%add3A, %dma_start3A_5, %dma_start3A_6] : memref<32x100x256xi32, #tpu.memory_space<hbm>> -> memref<1x1x256xi32, #tpu.memory_space<hbm>>
    %dma_start3A_8 = tpu.memref_squeeze %dma_start3A_7 : memref<1x1x256xi32, #tpu.memory_space<hbm>> -> memref<256xi32, #tpu.memory_space<hbm>>
    %dma_start3A_9 = arith.constant 0 : i32
    %dma_start3A_10 = tpu.memref_slice %arg3[%add3A, %dma_start3A_5, %dma_start3A_9] : memref<32x100x256xi32, #tpu.memory_space<hbm>> -> memref<1x1x256xi32, #tpu.memory_space<hbm>>
    %dma_start3A_11 = tpu.memref_squeeze %dma_start3A_10 : memref<1x1x256xi32, #tpu.memory_space<hbm>> -> memref<256xi32, #tpu.memory_space<hbm>>
    tpu.enqueue_dma source(%dma_start3A_11 : memref<256xi32, #tpu.memory_space<hbm>>) target(%arg6 : memref<256xi32, #tpu.memory_space<vmem>>) target_semaphore(%arg10 : memref<!tpu.dma_semaphore, #tpu.memory_space<semaphore_mem>>)
    %scan3A = arith.constant 0 : i32
    %scan3A_12 = arith.constant 50 : i32
    %scan3A_13 = arith.addi %scan3A, %scan3A_12 : i32
    %scan3A_14 = arith.constant 1 : i32
    scf.for %scan3A_21 = %scan3A to %scan3A_13 step %scan3A_14  : i32 {
      %mul3A_22 = arith.constant 1 : i32
      %mul3A_23 = arith.muli %scan3A_21, %mul3A_22 : i32
      %add3A_24 = arith.constant 0 : i32
      %add3A_25 = arith.addi %add3A_24, %mul3A_23 : i32
      %mul3A_26 = arith.constant 2 : i32
      %mul3A_27 = arith.muli %add3A_25, %mul3A_26 : i32
      %add3A_28 = arith.constant 0 : i32
      %add3A_29 = arith.addi %mul3A_27, %add3A_28 : i32
      %dma_wait3A_30 = arith.constant 0 : i32
      %dma_wait3A_31 = arith.constant 0 : i32
      %dma_wait3A_32 = tpu.memref_slice %arg2[%dma_wait3A_30, %dma_wait3A_31] : memref<100000x128xf32, #tpu.memory_space<hbm>> -> memref<100000x128xf32, #tpu.memory_space<hbm>>
      tpu.wait_indirect_dma semaphore(%arg11 : memref<!tpu.dma_semaphore, #tpu.memory_space<semaphore_mem>>) src(%dma_wait3A_32 : memref<100000x128xf32, #tpu.memory_space<hbm>>) dst(%arg7 : memref<256x128xf32, #tpu.memory_space<vmem>>)
      %add3A_33 = arith.constant 2 : i32
      %add3A_34 = arith.addi %add3A_29, %add3A_33 : i32
      %lt3A = arith.constant 100 : i32
      %lt3A_35 = arith.cmpi slt, %add3A_34, %lt3A : i32
      %convert_element_type3A = arith.extui %lt3A_35 : i1 to i32
      %cond3A = arith.constant 0 : i32
      %cond3A_36 = arith.cmpi ne, %convert_element_type3A, %cond3A : i32
      scf.if %cond3A_36 {
        %add3A_89 = arith.constant 2 : i32
        %add3A_90 = arith.addi %add3A_29, %add3A_89 : i32
        %dma_start3A_91 = arith.constant 0 : i32
        %dma_start3A_92 = tpu.memref_slice %arg3[%add3A, %add3A_90, %dma_start3A_91] : memref<32x100x256xi32, #tpu.memory_space<hbm>> -> memref<1x1x256xi32, #tpu.memory_space<hbm>>
        %dma_start3A_93 = tpu.memref_squeeze %dma_start3A_92 : memref<1x1x256xi32, #tpu.memory_space<hbm>> -> memref<256xi32, #tpu.memory_space<hbm>>
        %dma_start3A_94 = arith.constant 0 : i32
        %dma_start3A_95 = tpu.memref_slice %arg3[%add3A, %add3A_90, %dma_start3A_94] : memref<32x100x256xi32, #tpu.memory_space<hbm>> -> memref<1x1x256xi32, #tpu.memory_space<hbm>>
        %dma_start3A_96 = tpu.memref_squeeze %dma_start3A_95 : memref<1x1x256xi32, #tpu.memory_space<hbm>> -> memref<256xi32, #tpu.memory_space<hbm>>
        tpu.enqueue_dma source(%dma_start3A_96 : memref<256xi32, #tpu.memory_space<hbm>>) target(%arg5 : memref<256xi32, #tpu.memory_space<vmem>>) target_semaphore(%arg9 : memref<!tpu.dma_semaphore, #tpu.memory_space<semaphore_mem>>)
      } else {
      }
      %mul3A_37 = arith.constant 256 : i32
      %mul3A_38 = arith.muli %add3A_29, %mul3A_37 : i32
      %add3A_39 = arith.addi %mul3A_2, %mul3A_38 : i32
      %dma_start3A_40 = arith.constant 0 : i32
      %dma_start3A_41 = tpu.memref_slice %arg4[%add3A_39, %dma_start3A_40] : memref<819200x128xf32, #tpu.memory_space<hbm>> -> memref<256x128xf32, #tpu.memory_space<hbm>>
      %dma_start3A_42 = arith.constant 0 : i32
      %dma_start3A_43 = tpu.memref_slice %arg4[%add3A_39, %dma_start3A_42] : memref<819200x128xf32, #tpu.memory_space<hbm>> -> memref<256x128xf32, #tpu.memory_space<hbm>>
      tpu.enqueue_dma source(%arg7 : memref<256x128xf32, #tpu.memory_space<vmem>>) target(%dma_start3A_43 : memref<256x128xf32, #tpu.memory_space<hbm>>) target_semaphore(%arg13 : memref<!tpu.dma_semaphore, #tpu.memory_space<semaphore_mem>>)
      %gt3A = arith.constant 0 : i32
      %gt3A_44 = arith.cmpi sgt, %add3A_29, %gt3A : i32
      %convert_element_type3A_45 = arith.extui %gt3A_44 : i1 to i32
      %cond3A_46 = arith.constant 0 : i32
      %cond3A_47 = arith.cmpi ne, %convert_element_type3A_45, %cond3A_46 : i32
      scf.if %cond3A_47 {
        %sub3A_89 = arith.constant 1 : i32
        %sub3A_90 = arith.subi %add3A_29, %sub3A_89 : i32
        %mul3A_91 = arith.constant 256 : i32
        %mul3A_92 = arith.muli %sub3A_90, %mul3A_91 : i32
        %add3A_93 = arith.addi %mul3A_2, %mul3A_92 : i32
        %dma_wait3A_94 = arith.constant 0 : i32
        %dma_wait3A_95 = tpu.memref_slice %arg4[%add3A_93, %dma_wait3A_94] : memref<819200x128xf32, #tpu.memory_space<hbm>> -> memref<256x128xf32, #tpu.memory_space<hbm>>
        %dma_wait3A_96 = arith.constant 0 : i32
        %dma_wait3A_97 = tpu.memref_slice %arg4[%add3A_93, %dma_wait3A_96] : memref<819200x128xf32, #tpu.memory_space<hbm>> -> memref<256x128xf32, #tpu.memory_space<hbm>>
        tpu.wait_dma2 semaphore(%arg14 : memref<!tpu.dma_semaphore, #tpu.memory_space<semaphore_mem>>) src(%arg8 : memref<256x128xf32, #tpu.memory_space<vmem>>) dst(%dma_wait3A_97 : memref<256x128xf32, #tpu.memory_space<hbm>>)
      } else {
      }
      %add3A_48 = arith.constant 2 : i32
      %add3A_49 = arith.addi %add3A_29, %add3A_48 : i32
      %sub3A = arith.constant 1 : i32
      %sub3A_50 = arith.subi %add3A_49, %sub3A : i32
      %lt3A_51 = arith.constant 100 : i32
      %lt3A_52 = arith.cmpi slt, %sub3A_50, %lt3A_51 : i32
      %convert_element_type3A_53 = arith.extui %lt3A_52 : i1 to i32
      %cond3A_54 = arith.constant 0 : i32
      %cond3A_55 = arith.cmpi ne, %convert_element_type3A_53, %cond3A_54 : i32
      scf.if %cond3A_55 {
        %add3A_89 = arith.constant 2 : i32
        %add3A_90 = arith.addi %add3A_29, %add3A_89 : i32
        %sub3A_91 = arith.constant 1 : i32
        %sub3A_92 = arith.subi %add3A_90, %sub3A_91 : i32
        %dma_wait3A_93 = arith.constant 0 : i32
        %dma_wait3A_94 = tpu.memref_slice %arg3[%add3A, %sub3A_92, %dma_wait3A_93] : memref<32x100x256xi32, #tpu.memory_space<hbm>> -> memref<1x1x256xi32, #tpu.memory_space<hbm>>
        %dma_wait3A_95 = tpu.memref_squeeze %dma_wait3A_94 : memref<1x1x256xi32, #tpu.memory_space<hbm>> -> memref<256xi32, #tpu.memory_space<hbm>>
        %dma_wait3A_96 = arith.constant 0 : i32
        %dma_wait3A_97 = tpu.memref_slice %arg3[%add3A, %sub3A_92, %dma_wait3A_96] : memref<32x100x256xi32, #tpu.memory_space<hbm>> -> memref<1x1x256xi32, #tpu.memory_space<hbm>>
        %dma_wait3A_98 = tpu.memref_squeeze %dma_wait3A_97 : memref<1x1x256xi32, #tpu.memory_space<hbm>> -> memref<256xi32, #tpu.memory_space<hbm>>
        tpu.wait_dma2 semaphore(%arg10 : memref<!tpu.dma_semaphore, #tpu.memory_space<semaphore_mem>>) src(%dma_wait3A_98 : memref<256xi32, #tpu.memory_space<hbm>>) dst(%arg6 : memref<256xi32, #tpu.memory_space<vmem>>)
        %dma_start3A_99 = arith.constant 0 : i32
        %dma_start3A_100 = arith.constant 0 : i32
        %dma_start3A_101 = tpu.memref_slice %arg2[%dma_start3A_99, %dma_start3A_100] : memref<100000x128xf32, #tpu.memory_space<hbm>> -> memref<100000x128xf32, #tpu.memory_space<hbm>>
        tpu.enqueue_indirect_dma source(%dma_start3A_101 : memref<100000x128xf32, #tpu.memory_space<hbm>>) target(%arg8 : memref<256x128xf32, #tpu.memory_space<vmem>>) offsets(%arg6 : memref<256xi32, #tpu.memory_space<vmem>>) semaphore(%arg12 : memref<!tpu.dma_semaphore, #tpu.memory_space<semaphore_mem>>)
      } else {
      }
      %add3A_56 = arith.constant 1 : i32
      %add3A_57 = arith.addi %mul3A_27, %add3A_56 : i32
      %dma_wait3A_58 = arith.constant 0 : i32
      %dma_wait3A_59 = arith.constant 0 : i32
      %dma_wait3A_60 = tpu.memref_slice %arg2[%dma_wait3A_58, %dma_wait3A_59] : memref<100000x128xf32, #tpu.memory_space<hbm>> -> memref<100000x128xf32, #tpu.memory_space<hbm>>
      tpu.wait_indirect_dma semaphore(%arg12 : memref<!tpu.dma_semaphore, #tpu.memory_space<semaphore_mem>>) src(%dma_wait3A_60 : memref<100000x128xf32, #tpu.memory_space<hbm>>) dst(%arg8 : memref<256x128xf32, #tpu.memory_space<vmem>>)
      %add3A_61 = arith.constant 2 : i32
      %add3A_62 = arith.addi %add3A_57, %add3A_61 : i32
      %lt3A_63 = arith.constant 100 : i32
      %lt3A_64 = arith.cmpi slt, %add3A_62, %lt3A_63 : i32
      %convert_element_type3A_65 = arith.extui %lt3A_64 : i1 to i32
      %cond3A_66 = arith.constant 0 : i32
      %cond3A_67 = arith.cmpi ne, %convert_element_type3A_65, %cond3A_66 : i32
      scf.if %cond3A_67 {
        %add3A_89 = arith.constant 2 : i32
        %add3A_90 = arith.addi %add3A_57, %add3A_89 : i32
        %dma_start3A_91 = arith.constant 0 : i32
        %dma_start3A_92 = tpu.memref_slice %arg3[%add3A, %add3A_90, %dma_start3A_91] : memref<32x100x256xi32, #tpu.memory_space<hbm>> -> memref<1x1x256xi32, #tpu.memory_space<hbm>>
        %dma_start3A_93 = tpu.memref_squeeze %dma_start3A_92 : memref<1x1x256xi32, #tpu.memory_space<hbm>> -> memref<256xi32, #tpu.memory_space<hbm>>
        %dma_start3A_94 = arith.constant 0 : i32
        %dma_start3A_95 = tpu.memref_slice %arg3[%add3A, %add3A_90, %dma_start3A_94] : memref<32x100x256xi32, #tpu.memory_space<hbm>> -> memref<1x1x256xi32, #tpu.memory_space<hbm>>
        %dma_start3A_96 = tpu.memref_squeeze %dma_start3A_95 : memref<1x1x256xi32, #tpu.memory_space<hbm>> -> memref<256xi32, #tpu.memory_space<hbm>>
        tpu.enqueue_dma source(%dma_start3A_96 : memref<256xi32, #tpu.memory_space<hbm>>) target(%arg6 : memref<256xi32, #tpu.memory_space<vmem>>) target_semaphore(%arg10 : memref<!tpu.dma_semaphore, #tpu.memory_space<semaphore_mem>>)
      } else {
      }
      %mul3A_68 = arith.constant 256 : i32
      %mul3A_69 = arith.muli %add3A_57, %mul3A_68 : i32
      %add3A_70 = arith.addi %mul3A_2, %mul3A_69 : i32
      %dma_start3A_71 = arith.constant 0 : i32
      %dma_start3A_72 = tpu.memref_slice %arg4[%add3A_70, %dma_start3A_71] : memref<819200x128xf32, #tpu.memory_space<hbm>> -> memref<256x128xf32, #tpu.memory_space<hbm>>
      %dma_start3A_73 = arith.constant 0 : i32
      %dma_start3A_74 = tpu.memref_slice %arg4[%add3A_70, %dma_start3A_73] : memref<819200x128xf32, #tpu.memory_space<hbm>> -> memref<256x128xf32, #tpu.memory_space<hbm>>
      tpu.enqueue_dma source(%arg8 : memref<256x128xf32, #tpu.memory_space<vmem>>) target(%dma_start3A_74 : memref<256x128xf32, #tpu.memory_space<hbm>>) target_semaphore(%arg14 : memref<!tpu.dma_semaphore, #tpu.memory_space<semaphore_mem>>)
      %gt3A_75 = arith.constant 0 : i32
      %gt3A_76 = arith.cmpi sgt, %add3A_57, %gt3A_75 : i32
      %convert_element_type3A_77 = arith.extui %gt3A_76 : i1 to i32
      %cond3A_78 = arith.constant 0 : i32
      %cond3A_79 = arith.cmpi ne, %convert_element_type3A_77, %cond3A_78 : i32
      scf.if %cond3A_79 {
        %sub3A_89 = arith.constant 1 : i32
        %sub3A_90 = arith.subi %add3A_57, %sub3A_89 : i32
        %mul3A_91 = arith.constant 256 : i32
        %mul3A_92 = arith.muli %sub3A_90, %mul3A_91 : i32
        %add3A_93 = arith.addi %mul3A_2, %mul3A_92 : i32
        %dma_wait3A_94 = arith.constant 0 : i32
        %dma_wait3A_95 = tpu.memref_slice %arg4[%add3A_93, %dma_wait3A_94] : memref<819200x128xf32, #tpu.memory_space<hbm>> -> memref<256x128xf32, #tpu.memory_space<hbm>>
        %dma_wait3A_96 = arith.constant 0 : i32
        %dma_wait3A_97 = tpu.memref_slice %arg4[%add3A_93, %dma_wait3A_96] : memref<819200x128xf32, #tpu.memory_space<hbm>> -> memref<256x128xf32, #tpu.memory_space<hbm>>
        tpu.wait_dma2 semaphore(%arg13 : memref<!tpu.dma_semaphore, #tpu.memory_space<semaphore_mem>>) src(%arg7 : memref<256x128xf32, #tpu.memory_space<vmem>>) dst(%dma_wait3A_97 : memref<256x128xf32, #tpu.memory_space<hbm>>)
      } else {
      }
      %add3A_80 = arith.constant 2 : i32
      %add3A_81 = arith.addi %add3A_57, %add3A_80 : i32
      %sub3A_82 = arith.constant 1 : i32
      %sub3A_83 = arith.subi %add3A_81, %sub3A_82 : i32
      %lt3A_84 = arith.constant 100 : i32
      %lt3A_85 = arith.cmpi slt, %sub3A_83, %lt3A_84 : i32
      %convert_element_type3A_86 = arith.extui %lt3A_85 : i1 to i32
      %cond3A_87 = arith.constant 0 : i32
      %cond3A_88 = arith.cmpi ne, %convert_element_type3A_86, %cond3A_87 : i32
      scf.if %cond3A_88 {
        %add3A_89 = arith.constant 2 : i32
        %add3A_90 = arith.addi %add3A_57, %add3A_89 : i32
        %sub3A_91 = arith.constant 1 : i32
        %sub3A_92 = arith.subi %add3A_90, %sub3A_91 : i32
        %dma_wait3A_93 = arith.constant 0 : i32
        %dma_wait3A_94 = tpu.memref_slice %arg3[%add3A, %sub3A_92, %dma_wait3A_93] : memref<32x100x256xi32, #tpu.memory_space<hbm>> -> memref<1x1x256xi32, #tpu.memory_space<hbm>>
        %dma_wait3A_95 = tpu.memref_squeeze %dma_wait3A_94 : memref<1x1x256xi32, #tpu.memory_space<hbm>> -> memref<256xi32, #tpu.memory_space<hbm>>
        %dma_wait3A_96 = arith.constant 0 : i32
        %dma_wait3A_97 = tpu.memref_slice %arg3[%add3A, %sub3A_92, %dma_wait3A_96] : memref<32x100x256xi32, #tpu.memory_space<hbm>> -> memref<1x1x256xi32, #tpu.memory_space<hbm>>
        %dma_wait3A_98 = tpu.memref_squeeze %dma_wait3A_97 : memref<1x1x256xi32, #tpu.memory_space<hbm>> -> memref<256xi32, #tpu.memory_space<hbm>>
        tpu.wait_dma2 semaphore(%arg9 : memref<!tpu.dma_semaphore, #tpu.memory_space<semaphore_mem>>) src(%dma_wait3A_98 : memref<256xi32, #tpu.memory_space<hbm>>) dst(%arg5 : memref<256xi32, #tpu.memory_space<vmem>>)
        %dma_start3A_99 = arith.constant 0 : i32
        %dma_start3A_100 = arith.constant 0 : i32
        %dma_start3A_101 = tpu.memref_slice %arg2[%dma_start3A_99, %dma_start3A_100] : memref<100000x128xf32, #tpu.memory_space<hbm>> -> memref<100000x128xf32, #tpu.memory_space<hbm>>
        tpu.enqueue_indirect_dma source(%dma_start3A_101 : memref<100000x128xf32, #tpu.memory_space<hbm>>) target(%arg7 : memref<256x128xf32, #tpu.memory_space<vmem>>) offsets(%arg5 : memref<256xi32, #tpu.memory_space<vmem>>) semaphore(%arg11 : memref<!tpu.dma_semaphore, #tpu.memory_space<semaphore_mem>>)
      } else {
      }
    }
    %scan3A_15 = arith.constant 50 : i32
    %add3A_16 = arith.constant 25344 : i32
    %add3A_17 = arith.addi %mul3A_2, %add3A_16 : i32
    %dma_wait3A = arith.constant 0 : i32
    %dma_wait3A_18 = tpu.memref_slice %arg4[%add3A_17, %dma_wait3A] : memref<819200x128xf32, #tpu.memory_space<hbm>> -> memref<256x128xf32, #tpu.memory_space<hbm>>
    %dma_wait3A_19 = arith.constant 0 : i32
    %dma_wait3A_20 = tpu.memref_slice %arg4[%add3A_17, %dma_wait3A_19] : memref<819200x128xf32, #tpu.memory_space<hbm>> -> memref<256x128xf32, #tpu.memory_space<hbm>>
    tpu.wait_dma2 semaphore(%arg14 : memref<!tpu.dma_semaphore, #tpu.memory_space<semaphore_mem>>) src(%arg8 : memref<256x128xf32, #tpu.memory_space<vmem>>) dst(%dma_wait3A_20 : memref<256x128xf32, #tpu.memory_space<hbm>>)
    return
  }
}

</mosaic_0001>

<sc_bundles>
// kernel: kernel.3.cloned.1.call-start
scs
__scs_entry_jumppad:
0x0: {  	(pc) =	sbr.rel $0x88, $3  }
0x1: {  	(tag) =	ssettag $0x0;
	lr =	simm.s32 $0x1  }
0x2: {  	[smem:$0x3F9F] =	sst lr;
	_ =	strace $0xD0000000  }
0x3: {  	_ = 	snop  }
0x4: {  	_ = 	snop  }
0x5: {  	_ = 	snop  }
0x6: {  	_ = 	snop  }
0x7: {  	_ = 	snop  }
__scs_overlays_trampoline_lowered:
0x8: {  	[smem:$0x3FAE] =	sst s0  }
0x9: {  	[smem:$0x3FAF] =	sst s1  }
0xa: {  	[smem:$0x3FB0] =	sst s2  }
0xb: {  	[smem:$0x3FB1] =	sst s3  }
0xc: {  	[smem:$0x3FB2] =	sst s4  }
0xd: {  	[smem:$0x3FB3] =	sst s5  }
0xe: {  	[smem:$0x3FB4] =	sst s6  }
0xf: {  	[smem:$0x3FB5] =	sst s7  }
0x10: {  	[smem:$0x3FB6] =	sst s8  }
0x11: {  	[smem:$0x3FB7] =	sst s9;
	s0 =	simm.s32 @!p0 $0x0  }
0x12: {  	s1 =	sld [smem:$0x3F9D];
	s0 =	simm.s32 @p0 $0x1  }
0x13: {  	[smem:$0x3FB8] =	sst s0;
	s0 =	simm.s32 @!p1 $0x0  }
0x14: {  	s2 =	sld [smem:$0x3F9C];
	s0 =	simm.s32 @p1 $0x1  }
0x15: {  	[smem:$0x3FB9] =	sst s0;
	s0 =	simm.s32 @!p2 $0x0  }
0x16: {  	s3 =	sld [smem:$0x3FDB];
	s0 =	simm.s32 @p2 $0x1  }
0x17: {  	s4 =	simm.s32 $0x1BF5;
	[smem:$0x3FBB] =	sst s0  }
0x18: {  	s0 =	sld [smem:$0x3F9E];
	_ =	swait.ge [sflag:s4], $0x0  }
0x19: {  	s7 =	sld [smem:$0x3F9F]  }
0x1a: {  	s8 =	sadd.s32 $0xFFFFE003, lr  }
0x1b: {  	s9 =	sadd.s32 $0xFFFFFEF7, lr;
	s5 =	simm.s32 $0xFFFFFFFF;
	p2 =	slt.u32 s8, $0xFFFFF086  }
0x1c: {  	p1 =	slt.u32 s9, $0xF7A;
	s5 =	simm.s32 @!p2 $0x0  }
0x1d: {  	s5 =	simm.s32 @p1 $0x1;
	p0 =	seq.s32 s7, s2  }
0x1e: {  	s7 =	smul.u32 @!p0 $0xF7A, s2;
	p2 =	seq.s32 @!p0 s5, $0x0  }
0x1f: {  	s9 =	smul.u32 $0xF7A, s1;
	s8 =	simm.s32 @!p0 $0x1BF5;
	p2 =	por !p2, p0  }
0x20: {  	[sflag:s8] =	ssyncset.s32 @!p0 $0xFFFFF086;
	s6 =	sadd.s32 @!p0 s3, s7;
	s7 =	simm.s32 @!p0 $0x108  }
0x21: {  	s3 =	sadd.s32 s3, s9;
	s6 =	sadd.s32 @!p0 $0x88, s6;
	s7 =	simm.s32 @p2 $0x1082  }
0x22: {  	[simem:s7], [sflag:s8] =	dma.local @!p0 [hbm:s6], $0xF7A  }
0x23: {  	s9 =	sor.u32 $0xD0000000, s2;
	s6 =	simm.s32 $0x108;
	_ =	swait.ge @!p0 [sflag:s8], $0x0  }
0x24: {  	s3 =	sadd.s32 $0x88, s3;
	s6 =	simm.s32 @!p1 $0x1082;
	[sflag:s4] =	ssyncset.s32 $0xFFFFF086  }
0x25: {  	[simem:s6], [sflag:s4] =	dma.local [hbm:s3], $0xF7A  }
0x26: {  	[smem:$0x3F9F] =	sst s1;
	(tag) =	ssettag s2;
	_ =	strace s9  }
0x27: {  	s1 =	sld [smem:$0x3FAF]  }
0x28: {  	s2 =	sld [smem:$0x3FB0]  }
0x29: {  	s4 =	sld [smem:$0x3FB2]  }
0x2a: {  	p0 =	seq.s32 s5, $0x0;
	s5 =	sld [smem:$0x3FB3]  }
0x2b: {  	s6 =	sld [smem:$0x3FB4]  }
0x2c: {  	s7 =	sld [smem:$0x3FB5]  }
0x2d: {  	s3 =	simm.s32 $0x108;
	s8 =	sld [smem:$0x3FB6]  }
0x2e: {  	s3 =	simm.s32 @!p0 $0x1082;
	s9 =	sld [smem:$0x3FB7]  }
0x2f: {  	lr =	sadd.s32 s0, s3;
	s0 =	sld [smem:$0x3FAE]  }
0x30: {  	s3 =	sld [smem:$0x3FB1]  }
0x31: {  	[smem:$0x3FBA] =	sst s10  }
0x32: {  	s10 =	sld [smem:$0x3FB8];
	_ =	sdelay $0x3  }
0x33: {  	p0 =	seq.s32 s10, $0x1;
	s10 =	sld [smem:$0x3FBA];
	_ =	sdelay $0x3  }
0x34: {  	[smem:$0x3FBA] =	sst s10  }
0x35: {  	s10 =	sld [smem:$0x3FB9];
	_ =	sdelay $0x3  }
0x36: {  	p1 =	seq.s32 s10, $0x1;
	s10 =	sld [smem:$0x3FBA];
	_ =	sdelay $0x3  }
0x37: {  	[smem:$0x3FBA] =	sst s10  }
0x38: {  	s10 =	sld [smem:$0x3FBB]  }
0x39: {  	_ = 	snop;
	(pc) =	sbr.ind lr, $3  }
0x3a: {  	_ = 	snop  }
0x3b: {  	_ = 	snop  }
0x3c: {  	p2 =	seq.s32 s10, $0x1;
	s10 =	sld [smem:$0x3FBA]  }
0x3d: {  	_ =	shalt  }
0x3e: {  	_ =	shalt  }
0x3f: {  	_ =	shalt  }
0x40: {  	_ =	shalt  }
0x41: {  	_ =	shalt  }
0x42: {  	_ =	shalt  }
0x43: {  	_ =	shalt  }
0x44: {  	_ =	shalt  }
0x45: {  	_ =	shalt  }
0x46: {  	_ =	shalt  }
0x47: {  	_ =	shalt  }
0x48: {  	_ =	shalt  }
0x49: {  	_ =	shalt  }
0x4a: {  	_ =	shalt  }
0x4b: {  	_ =	shalt  }
0x4c: {  	_ =	shalt  }
0x4d: {  	_ =	shalt  }
0x4e: {  	_ =	shalt  }
0x4f: {  	_ =	shalt  }
0x50: {  	_ =	shalt  }
0x51: {  	_ =	shalt  }
0x52: {  	_ =	shalt  }
0x53: {  	_ =	shalt  }
0x54: {  	_ =	shalt  }
0x55: {  	_ =	shalt  }
0x56: {  	_ =	shalt  }
0x57: {  	_ =	shalt  }
0x58: {  	_ =	shalt  }
0x59: {  	_ =	shalt  }
0x5a: {  	_ =	shalt  }
0x5b: {  	_ =	shalt  }
0x5c: {  	_ =	shalt  }
0x5d: {  	_ =	shalt  }
0x5e: {  	_ =	shalt  }
0x5f: {  	_ =	shalt  }
0x60: {  	_ =	shalt  }
0x61: {  	_ =	shalt  }
0x62: {  	_ =	shalt  }
0x63: {  	_ =	shalt  }
0x64: {  	_ =	shalt  }
0x65: {  	_ =	shalt  }
0x66: {  	_ =	shalt  }
0x67: {  	_ =	shalt  }
0x68: {  	_ =	shalt  }
0x69: {  	_ =	shalt  }
0x6a: {  	_ =	shalt  }
0x6b: {  	_ =	shalt  }
0x6c: {  	_ =	shalt  }
0x6d: {  	_ =	shalt  }
0x6e: {  	_ =	shalt  }
0x6f: {  	_ =	shalt  }
0x70: {  	_ =	shalt  }
0x71: {  	_ =	shalt  }
0x72: {  	_ =	shalt  }
0x73: {  	_ =	shalt  }
0x74: {  	_ =	shalt  }
0x75: {  	_ =	shalt  }
0x76: {  	_ =	shalt  }
0x77: {  	_ =	shalt  }
0x78: {  	_ =	shalt  }
0x79: {  	_ =	shalt  }
0x7a: {  	_ =	shalt  }
0x7b: {  	_ =	shalt  }
0x7c: {  	_ =	shalt  }
0x7d: {  	_ =	shalt  }
0x7e: {  	_ =	shalt  }
0x7f: {  	_ =	shalt  }
0x80: {  	_ =	shalt  }
0x81: {  	_ =	shalt  }
0x82: {  	_ =	shalt  }
0x83: {  	_ =	shalt  }
0x84: {  	_ =	shalt  }
0x85: {  	_ =	shalt  }
0x86: {  	_ =	shalt  }
0x87: {  	_ =	shalt  }
.Lfunc_end0:
.L_simem_size_0:
called_computation_lowered:
.L_overlay_start_0:
0x88: {  	s2 =	sld [smem:$0x3FD9]  }
0x89: {  	s3 =	sld [smem:$0x3FFE];
	_ =	sdelay $0x1  }
0x8a: {  	s1 =	srdreg.scid  }
0x8b: {  	s0 =	sand.u32 $0x1, s1  }
0x8c: {  	s17 =	sshll.u32 s0, $0xA;
	s2 =	sadd.s32 s3, s2  }
0x8d: {  	s2 =	sadd.s32 s2, s17  }
0x8e: {  	[smem:$0x3FC6] =	sst s2  }
0x8f: {  	_ = 	snop  }
0x90: {  	s2 =	sld [smem:$0x3FC8]  }
0x91: {  	s18 =	sld [smem:$0x3FD0];
	(tm) =	ssettm $0x1  }
0x92: {  	s4 =	sld [smem:$0x3FFB];
	_ =	sdelay $0x3  }
0x93: {  	_ =	strace s4  }
0x94: {  	s4 =	sld [smem:$0x3FFC];
	_ =	sdelay $0x3  }
0x95: {  	_ =	strace s4  }
0x96: {  	s4 =	sld [smem:$0x3FFD];
	_ =	sdelay $0x3  }
0x97: {  	_ =	strace s4  }
0x98: {  	_ =	strace $0x8FFFFFFF  }
0x99: {  	s19 =	sld [smem:$0x3FDB];
	_ =	sdelay $0x1  }
0x9a: {  	s5 =	simm.s32 $_scs_section_size  }
0x9b: {  	s6 =	simm.s32 $_size__tile_overlayer_lowered;
	s7 =	simm.s32 $_tile_overlayer_lowered  }
0x9c: {  	s22 =	simm.s32 $0x1BFF;
	s21 =	sshll.u32 s7, $0x1;
	s4 =	sadd.s32 s5, s19  }
0x9d: {  	s8 =	simm.s32 $0x0;
	s20 =	sshll.u32 s6, $0x1;
	s6 =	sadd.s32 s21, s4  }
0x9e: {  	[timem:s8], [sflag:s22] =	dma.local [hbm:s6], s20  }
0x9f: {  	_ =	swait.ge [sflag:s22], s20  }
0xa0: {  	s5 =	ssub.s32 $0x0, s20;
	[sflag:s22] =	ssyncset.done $0x0  }
0xa1: {  	[sflag:s22] =	ssyncadd.s32 s5;
	_ =	sdelay $0x1  }
0xa2: {  	s23 =	simm.s32 $0x1B8B  }
0xa3: {  	_ =	swait.ge [sflag:s23], $0x1  }
0xa4: {  	[sflag:s23] =	ssyncset.done $0x0  }
0xa5: {  	s25 =	simm.s32 $0x1B8E;
	s24 =	sld [smem:$0x3FFE];
	[sflag:s23] =	ssyncadd.s32 $0xFFFFFFFF  }
0xa6: {  	s26 =	simm.s32 $execute0_lowered;
	[smem:$0x3FD2] =	sst s25  }
0xa7: {  	s6 =	sshll.u32 s26, $0x1;
	_ =	strace $0x80000046;
	[dreg:$0x1] =	wrdreg $0xFFFFFFFF  }
0xa8: {  	s28 =	simm.s32 $_size_execute0_lowered;
	s4 =	sadd.s32 s4, s6;
	[dreg:$0x0] =	wrdreg $0x0  }
0xa9: {  	s6 =	sshll.u32 s28, $0x1;
	[dreg:$0x2] =	wrdreg s4  }
0xaa: {  	[dreg:$0x3] =	wrdreg s6  }
0xab: {  	[dreg:$0x4] =	wrdreg $0xC0  }
0xac: {  	_ =	task [dreg:s8], $0x5FFFF  }
0xad: {  	[dreg:$0x1] =	wrdreg $0xFFFFFFFF  }
0xae: {  	[dreg:$0x0] =	wrdreg $0x60  }
0xaf: {  	[dreg:$0x2] =	wrdreg s2  }
0xb0: {  	[dreg:$0x3] =	wrdreg s24  }
0xb1: {  	[dreg:$0x4] =	wrdreg s18  }
0xb2: {  	[dreg:$0x5] =	wrdreg $0x9  }
0xb3: {  	_ =	task.clear_ibuf [dreg:s8], $0x6FFFF;
	_ =	strace $0x90000046  }
0xb4: {  	s29 =	simm.s32 $0x9;
	_ =	strace $0x80000048  }
0xb5: {  	_ =	swait.ge [sflag:s29], $0x1  }
0xb6: {  	[sflag:s29] =	ssyncadd.s32 $0xFFFFFFFF  }
0xb7: {  	_ =	strace $0x90000048  }
0xb8: {  	_ =	sfence  }
0xb9: {  	s30 =	sld [smem:$0x0];
	_ =	sdelay $0x2  }
0xba: {  	s31 =	sshll.u32 s1, $0xD;
	s1 =	sshrl.u32 s1, $0x2  }
0xbb: {  	s3 =	sand.u32 $0x4000, s31;
	s1 =	sadd.s32 s1, s30  }
0xbc: {  	s0 =	sor.u32 s3, s0;
	s1 =	sshll.u32 s1, $0x11  }
0xbd: {  	s0 =	sor.u32 s1, s0  }
0xbe: {  	s0 =	sadd.s32 $0x8F2B, s0  }
0xbf: {  	[sflag:s0] =	ssyncadd.remote.s32 $0x1  }
0xc0: {  	_ =	sfence.sel $0xFFFF  }
0xc1: {  	[dreg:$0x0] =	wrdreg $0xFFFFFFFF;
	(pc) =	sbr.abs _section_cstart, $3  }
0xc2: {  	[dreg:$0x1] =	wrdreg $0xFFFFFFFF  }
0xc3: {  	_ =	task.clear_ibuf [dreg:s8], $0x2FFFF;
	_ =	strace $0x9FFFFFFF  }
0xc4: {  	(tm) =	ssettm $0x7FFFFFFF  }
0xc5: {  	_ =	shalt  }
tec
execute0_lowered:
.L_overlay_start_1:
0x0: {  	(tag) =	ssettag $0x1  }
0x1: {  	s1 =	rddreg [dreg:$0x0]  }
0x2: {  	s0 =	rddreg [dreg:$0x1];
	s2 =	srdreg.scid  }
0x3: {  	s10 =	stileid.u32;
	s14 =	rddreg [dreg:$0x2]  }
0x4: {  	s3 =	simm.s32 $0x0;
	s16 =	simm.s32 $0x80;
	s17 =	simm.s32 $0x400  }
0x5: {  	s18 =	simm.s32 $0x7;
	s28 =	simm.s32 $0x6;
	s2 =	sand.u32 $0x1, s2  }
0x6: {  	s4 =	sshll.u32 s10, $0x1;
	[smem:$0x7FF] =	sst s3;
	s13 =	smul.u32 $0x640000, s10  }
0x7: {  	s5 =	sor.u32 s2, s4;
	s6 =	ssub.s32 $0x2, s2;
	s2 =	smul.u32 $0x320000, s2  }
0x8: {  	s29 =	simm.s32 $0x0;
	_ =	strace $0x80000047;
	s4 =	smul.u32 $0x6800, s5  }
0x9: {  	s7 =	sshrl.u32 s6, $0x1;
	s9 =	smul.u32 $0x320000, s5;
	s5 =	sadd.s32 $0x400, s0  }
0xa: {  	s19 =	ssub.s32 s6, s7;
	s24 =	sadd.s32 s2, s13;
	s20 =	sshrl.u32 s4, $0x3  }
0xb: {  	s8 =	sshrl.u32 s9, $0x3;
	s15 =	sor.u32 $0x8000, s9;
	s0 =	smax.u32 s19, $0x1  }
0xc: {  	s26 =	sor.u32 $0x18000, s24;
	s19 =	simm.s32 $0x100;
	s6 =	sadd.s32 s5, s20  }
0xd: {  	s22 =	sadd.s32 s14, s8;
	[dreg:$0x6] =	wrdreg s0;
	s25 =	sshrl.u32 s15, $0x3  }
0xe: {  	s0 =	sor.u32 $0x10000, s24;
	s30 =	sshrl.u32 s26, $0x3;
	s20 =	simm.s32 $0x200  }
0xf: {  	s24 =	simm.s32 $0x4;
	s26 =	simm.s32 $0x1;
	s21 =	sadd.s32 $0x10, s6  }
.Ltmp0:
0x10: {  	[dreg:$0x5] =	wrdreg s22;
	s23 =	sadd.s32 $0x63000, s22;
	(pc) =	sbr.rel .LBB2_1-.Ltmp0, $4  }
0x11: {  	s11 =	sadd.s32 $0x20, s6;
	s12 =	sadd.s32 $0x30, s6;
	s13 =	sadd.s32 s14, s25  }
0x12: {  	s31 =	sshrl.u32 s0, $0x3;
	s0 =	sadd.s32 s30, s14;
	[dreg:$0x4] =	wrdreg s21  }
0x13: {  	s22 =	simm.s32 $0x2;
	s25 =	simm.s32 $0x5;
	[dreg:$0x7] =	wrdreg s23  }
0x14: {  	s2 =	sadd.s32 s31, s14;
	s21 =	simm.s32 $0x3;
	s23 =	simm.s32 $0x8200  }
.LBB2_4:
0x15: {  	s7 =	rddreg [dreg:$0x7]  }
0x16: {  	[hbm4b:s7+s3] =	stream.linear.scatter [tilespmem:s23], [sflag:$0x6], $0x8000, $0x38;
	[tilespmem:$0x10200] =	vst v63  }
0x17: {  	_ =	swait.ge [sflag:s25], $0x8000  }
0x18: {  	[sflag:s25] =	ssyncset.done $0x0  }
0x19: {  	[sflag:s25] =	ssyncadd.s32 $0xFFFF8000  }
0x1a: {  	_ =	swait.ge [sflag:s28], $0x8000  }
0x1b: {  	s29 =	sadd.s32 $0x1, s29;
	s31 =	rddreg [dreg:$0x6]  }
0x1c: {  	p0 =	sne.s32 s29, s31  }
.Ltmp1:
0x1d: {  	_ = 	snop;
	(pc) =	sbr.rel @!p0 .LBB2_5-.Ltmp1, $3  }
0x1e: {  	_ =	sdelay $0x1  }
0x1f: {  	[sflag:s28] =	ssyncset.done $0x0  }
0x20: {  	[sflag:s28] =	ssyncadd.s32 $0xFFFF8000  }
.LBB2_1:
0x21: {  	[tilespmem:s3], [sflag:$0x7] =	stream.strided.gather [hbm4b:s6+s16], $0x100, s17, s16, $0x38;
	[tilespmem:$0x10200] =	vst v63  }
0x22: {  	_ =	swait.ge [sflag:s18], $0x100  }
0x23: {  	[sflag:s18] =	ssyncset.done $0x0  }
0x24: {  	[sflag:s18] =	ssyncadd.s32 $0xFFFFFF00  }
0x25: {  	[tilespmem:s20], [sflag:$0x3] =	stream.indirect.gather [hbm4b:s1+s19], $0x80, s3, s19, $0xb8;
	[tilespmem:$0x10200] =	vst v63  }
0x26: {  	s7 =	rddreg [dreg:$0x4]  }
0x27: {  	[tilespmem:s19], [sflag:$0x2] =	stream.strided.gather [hbm4b:s7+s16], $0x100, s17, s16, $0x38;
	[tilespmem:$0x10200] =	vst v63  }
0x28: {  	_ =	swait.ge [sflag:s21], $0x8000  }
0x29: {  	[sflag:s21] =	ssyncset.done $0x0  }
0x2a: {  	[sflag:s21] =	ssyncadd.s32 $0xFFFF8000  }
0x2b: {  	[tilespmem:s3], [sflag:$0x1] =	stream.strided.gather [hbm4b:s11+s16], $0x100, s17, s16, $0x38;
	[tilespmem:$0x10200] =	vst v63  }
0x2c: {  	s15 =	rddreg [dreg:$0x5]  }
0x2d: {  	[hbm4b:s15+s3] =	stream.linear.scatter [tilespmem:s20], [sflag:$0x5], $0x8000, $0x38;
	[tilespmem:$0x10200] =	vst v63  }
0x2e: {  	_ =	swait.ge [sflag:s22], $0x100  }
0x2f: {  	[sflag:s22] =	ssyncset.done $0x0  }
0x30: {  	[sflag:s22] =	ssyncadd.s32 $0xFFFFFF00  }
0x31: {  	[tilespmem:s23], [sflag:$0x4] =	stream.indirect.gather [hbm4b:s1+s19], $0x80, s19, s19, $0xb8;
	[tilespmem:$0x10200] =	vst v63  }
0x32: {  	_ =	swait.ge [sflag:s24], $0x8000  }
0x33: {  	[sflag:s24] =	ssyncset.done $0x0  }
0x34: {  	[sflag:s24] =	ssyncadd.s32 $0xFFFF8000  }
0x35: {  	[tilespmem:s19], [sflag:$0x2] =	stream.strided.gather [hbm4b:s12+s16], $0x100, s17, s16, $0x38;
	[tilespmem:$0x10200] =	vst v63  }
0x36: {  	_ = 	snop  }
0x37: {  	[hbm4b:s13+s3] =	stream.linear.scatter [tilespmem:s23], [sflag:$0x6], $0x8000, $0x38;
	[tilespmem:$0x10200] =	vst v63  }
0x38: {  	_ =	swait.ge [sflag:s25], $0x8000  }
0x39: {  	[sflag:s25] =	ssyncset.done $0x0  }
0x3a: {  	[sflag:s25] =	ssyncadd.s32 $0xFFFF8000  }
0x3b: {  	_ =	swait.ge [sflag:s26], $0x100  }
0x3c: {  	s30 =	simm.s32 $0x500;
	s31 =	simm.s32 $0x280;
	[sflag:s26] =	ssyncset.done $0x0  }
0x3d: {  	s14 =	smov.u32 s0;
	s15 =	smov.u32 s2;
	[sflag:s26] =	ssyncadd.s32 $0xFFFFFF00  }
0x3e: {  	[tilespmem:s20], [sflag:$0x3] =	stream.indirect.gather [hbm4b:s1+s19], $0x80, s3, s19, $0xb8;
	[tilespmem:$0x10200] =	vst v63  }
.LBB2_2:
0x3f: {  	p0 =	seq.s32 s31, $0x3280  }
0x40: {  	s7 =	sadd.s32 @!p0 $0xFFFFFF00, s30  }
0x41: {  	s9 =	sadd.s32 @!p0 $0xFFFFFF80, s31;
	s7 =	sand.u32 @!p0 $0xF800, s7  }
0x42: {  	_ =	swait.ge [sflag:s21], $0x8000;
	s9 =	sand.u32 @!p0 $0x300, s9;
	s7 =	sadd.s32 @!p0 s4, s7  }
0x43: {  	[sflag:s21] =	ssyncset.done $0x0;
	s7 =	sor.u32 @!p0 s9, s7  }
0x44: {  	s10 =	simm.s32 @!p0 $0x400;
	s8 =	simm.s32 @!p0 $0x0;
	s7 =	sshrl.u32 @!p0 s7, $0x3  }
0x45: {  	[sflag:s21] =	ssyncadd.s32 $0xFFFF8000;
	s9 =	simm.s32 @!p0 $0x80;
	s7 =	sadd.s32 @!p0 s5, s7  }
0x46: {  	[tilespmem:s8], [sflag:$0x1] =	stream.strided.gather @!p0 [hbm4b:s7+s9], $0x100, s10, s9, $0x38;
	[tilespmem:$0x10200] =	vst v63  }
0x47: {  	_ = 	snop  }
0x48: {  	[hbm4b:s15+s3] =	stream.linear.scatter [tilespmem:s20], [sflag:$0x5], $0x8000, $0x38;
	[tilespmem:$0x10200] =	vst v63  }
0x49: {  	_ =	swait.ge [sflag:s28], $0x8000  }
0x4a: {  	[sflag:s28] =	ssyncset.done $0x0  }
0x4b: {  	[sflag:s28] =	ssyncadd.s32 $0xFFFF8000  }
0x4c: {  	_ =	swait.ge [sflag:s22], $0x100  }
0x4d: {  	[sflag:s22] =	ssyncset.done $0x0  }
.Ltmp2:
0x4e: {  	[sflag:s22] =	ssyncadd.s32 $0xFFFFFF00;
	(pc) =	sbr.rel @p0 .LBB2_4-.Ltmp2, $4  }
0x4f: {  	[tilespmem:s23], [sflag:$0x4] =	stream.indirect.gather [hbm4b:s1+s19], $0x80, s19, s19, $0xb8;
	[tilespmem:$0x10200] =	vst v63  }
0x50: {  	_ =	swait.ge [sflag:s24], $0x8000  }
0x51: {  	[sflag:s24] =	ssyncset.done $0x0  }
0x52: {  	[sflag:s24] =	ssyncadd.s32 $0xFFFF8000  }
0x53: {  	s7 =	sand.u32 $0xF800, s30  }
0x54: {  	s8 =	sand.u32 $0x380, s31;
	s7 =	sadd.s32 s4, s7  }
0x55: {  	s7 =	sor.u32 s8, s7  }
0x56: {  	s7 =	sshrl.u32 s7, $0x3  }
0x57: {  	s7 =	sadd.s32 s5, s7  }
0x58: {  	[tilespmem:s19], [sflag:$0x2] =	stream.strided.gather [hbm4b:s7+s16], $0x100, s17, s16, $0x38;
	[tilespmem:$0x10200] =	vst v63  }
0x59: {  	_ = 	snop  }
0x5a: {  	[hbm4b:s14+s3] =	stream.linear.scatter [tilespmem:s23], [sflag:$0x6], $0x8000, $0x38;
	[tilespmem:$0x10200] =	vst v63  }
0x5b: {  	_ =	swait.ge [sflag:s25], $0x8000  }
0x5c: {  	[sflag:s25] =	ssyncset.done $0x0  }
.Ltmp3:
0x5d: {  	[sflag:s25] =	ssyncadd.s32 $0xFFFF8000;
	(pc) =	sbr.rel .LBB2_2-.Ltmp3, $4  }
0x5e: {  	_ =	swait.ge [sflag:s26], $0x100  }
0x5f: {  	s15 =	sadd.s32 $0x2000, s15;
	s30 =	sadd.s32 $0x200, s30;
	[sflag:s26] =	ssyncset.done $0x0  }
0x60: {  	s31 =	sadd.s32 $0x100, s31;
	s14 =	sadd.s32 $0x2000, s14;
	[sflag:s26] =	ssyncadd.s32 $0xFFFFFF00  }
0x61: {  	[tilespmem:s20], [sflag:$0x3] =	stream.indirect.gather [hbm4b:s1+s19], $0x80, s3, s19, $0xb8;
	[tilespmem:$0x10200] =	vst v63  }
.LBB2_5:
0x62: {  	_ =	sfence.sel $0x180000  }
0x63: {  	[bflag:$0x0] =	sbarrier.arrive $0xFFFF  }
0x64: {  	_ =	strace $0x90000047  }
0x65: {  	s0 =	stileid.u32;
	[bflag:$0x2] =	sbarrier.arrive $0xFFFF  }
0x66: {  	p0 =	sne.s32 s0, $0x0;
	s0 =	rddreg [dreg:$0x3]  }
0x67: {  	s0 =	sadd.s32 @!p0 $0x100000, s0  }
0x68: {  	[sflag:s0] =	ssyncadd.tile.s32 @!p0 $0x1;
	_ =	shalt  }
.Lfunc_end2:
_tile_overlayer_lowered:
.L_overlay_start_2:
0x69: {  	(tag) =	ssettag $0x2  }
0x6a: {  	s0 =	rddreg [dreg:$0x0];
	s2 =	stileid.u32  }
0x6b: {  	s1 =	rddreg [dreg:$0x1];
	p0 =	sne.s32 s2, $0x0  }
0x6c: {  	s3 =	rddreg [dreg:$0x2];
	[bflag:$0x3] =	sbarrier.arrive $0xFFFF;
	s2 =	simm.s32 @!p0 $0x1C07  }
0x6d: {  	[timem:s3], [sflag:s2] =	dma.local @!p0 [hbm:s0], s1  }
0x6e: {  	s0 =	simm.s32 @!p0 $0x7  }
0x6f: {  	_ =	swait.ge @!p0 [sflag:s0], s1  }
0x70: {  	s1 =	ssub.s32 @!p0 $0x0, s1;
	[sflag:s0] =	ssyncset.done @!p0 $0x0  }
0x71: {  	[sflag:s0] =	ssyncadd.s32 @!p0 s1  }
0x72: {  	[bflag:$0x3] =	sbarrier.arrive $0xFFFF  }
0x73: {  	_ =	shalt  }

</sc_bundles>
